<compile_context>
chip_gen: v7x
topology: tpu7x:2x2x1
jax: 0.10.2.dev20260603
libtpu: 0.0.44.dev20260713+nightly
codegen_flags: <defaults>
</compile_context>

<pallas_src>
import functools

import jax
import jax.numpy as jnp
from jax import lax
from jax.experimental import pallas as pl
from jax.experimental.pallas import tpu as pltpu
from jax.experimental.pallas import tpu_sc as plsc

NUM_CLASSES = 1000
HIDDEN = 1152
BATCH = 16384
UNCOND_ID = NUM_CLASSES
TROWS = NUM_CLASSES + 1
KPAD = TROWS

B_SC = 1024
B_TC = BATCH - B_SC

NC = 2
NS = 16
L = 16
NW = NC * NS
CHUNK = 16
NBUF = 3

BT = 256


def _make_sc_kernel(b_sc):
    b_per_w = b_sc // NW
    nchunk = b_per_w // CHUNK
    mesh = plsc.VectorSubcoreMesh(core_axis_name="c", subcore_axis_name="s")

    @functools.partial(
        pl.kernel,
        mesh=mesh,
        out_type=jax.ShapeDtypeStruct((b_sc, HIDDEN), jnp.float32),
        scratch_types=(
            [pltpu.VMEM_SHARED((TROWS, HIDDEN), jnp.float32)]
            + [pltpu.VMEM((b_per_w,), jnp.int32)] * 2
            + [pltpu.VMEM((nchunk, CHUNK), jnp.int32)]
            + [pltpu.VMEM((CHUNK, HIDDEN), jnp.float32)] * NBUF
            + [pltpu.SemaphoreType.DMA] * (2 * NBUF)
        ),
        compiler_params=pltpu.CompilerParams(use_tc_tiling_on_sc=False),
    )
    def emb_kernel(labels_hbm, drop_hbm, table_hbm, out_hbm,
                   tab_s, lab_v, drop_v, idx_v, *bufs_sems):
        bufs = bufs_sems[:NBUF]
        gsem = bufs_sems[NBUF:2 * NBUF]
        ssem = bufs_sems[2 * NBUF:]
        sid = lax.axis_index("s")
        wid = sid * NC + lax.axis_index("c")
        base = wid * b_per_w

        rows_each = TROWS // NS
        pltpu.sync_copy(table_hbm.at[pl.ds(sid * rows_each, rows_each)],
                        tab_s.at[pl.ds(sid * rows_each, rows_each)])

        @pl.when(sid == NS - 1)
        def _stage_tail():
            rem = TROWS - NS * rows_each
            pltpu.sync_copy(table_hbm.at[pl.ds(NS * rows_each, rem)],
                            tab_s.at[pl.ds(NS * rows_each, rem)])

        pltpu.sync_copy(labels_hbm.at[pl.ds(base, b_per_w)], lab_v)
        pltpu.sync_copy(drop_hbm.at[pl.ds(base, b_per_w)], drop_v)

        for i in range(b_per_w // L):
            lab = lab_v[pl.ds(i * L, L)]
            dr = drop_v[pl.ds(i * L, L)]
            idx_v[i // (CHUNK // L), pl.ds((i % (CHUNK // L)) * L, L)] = (
                jnp.where(dr != 0, jnp.full((L,), UNCOND_ID, jnp.int32), lab))

        plsc.subcore_barrier()

        def gath(c, slot):
            return pltpu.make_async_copy(
                tab_s.at[idx_v.at[c]], bufs[slot], gsem[slot])

        def scat(c, slot):
            return pltpu.make_async_copy(
                bufs[slot], out_hbm.at[pl.ds(base + c * CHUNK, CHUNK)],
                ssem[slot])

        gath(0, 0).start()
        for c in range(nchunk):
            slot = c % NBUF
            nxt = c + 1
            if nxt < nchunk:
                ns = nxt % NBUF
                if nxt >= NBUF:
                    scat(nxt - NBUF, ns).wait()
                gath(nxt, ns).start()
            gath(c, slot).wait()
            scat(c, slot).start()
        for c in range(max(0, nchunk - NBUF), nchunk):
            scat(c, c % NBUF).wait()

    return emb_kernel


GSC = B_SC // BT


def _tc_body(lab_ref, drop_ref, tab_ref, sc_ref, out_ref):
    i = pl.program_id(0)

    @pl.when(i < GSC)
    def _copy_sc_tile():
        out_ref[...] = sc_ref[...]

    @pl.when(i >= GSC)
    def _matmul_tile():
        lab = lab_ref[i, :]
        dr = drop_ref[i, :]
        eff = jnp.where(dr != 0, UNCOND_ID, lab)
        onehot = (eff[:, None]
                  == lax.broadcasted_iota(jnp.int32, (BT, KPAD), 1)
                  ).astype(jnp.float32)
        out_ref[...] = jnp.dot(onehot, tab_ref[...],
                               preferred_element_type=jnp.float32)


def _make_tc_kernel():
    g = BATCH // BT
    return pl.pallas_call(
        _tc_body,
        grid=(g,),
        in_specs=[
            pl.BlockSpec((g, BT), lambda i: (0, 0)),
            pl.BlockSpec((g, BT), lambda i: (0, 0)),
            pl.BlockSpec((KPAD, HIDDEN), lambda i: (0, 0)),
            pl.BlockSpec((BT, HIDDEN), lambda i: (jnp.minimum(i, GSC - 1), 0)),
        ],
        out_specs=pl.BlockSpec((BT, HIDDEN), lambda i: (i, 0)),
        out_shape=jax.ShapeDtypeStruct((BATCH, HIDDEN), jnp.float32),
    )


_sc_kernel = _make_sc_kernel(B_SC)
_tc_kernel = _make_tc_kernel()


def kernel(labels, train, force_drop_ids, table):
    del train
    labels = labels.astype(jnp.int32)
    drops = force_drop_ids.astype(jnp.int32)
    sc_part = _sc_kernel(labels[:B_SC], drops[:B_SC], table)
    g = BATCH // BT
    return _tc_kernel(labels.reshape(g, BT), drops.reshape(g, BT),
                      table, sc_part)

# --- scband reference (transcript-rebuilt; emitter-appended) ---
"""Pipeline reference for scband-label-embedder-68101001445414 (READ-ONLY COPY).

The authoritative reference and input builder live on the scoring server;
editing this copy changes nothing except your own understanding.
"""

import jax, jax.numpy as jnp
import numpy as np

NUM_CLASSES = 1000
HIDDEN = 1152
BATCH = 16384
UNCOND_ID = NUM_CLASSES


def setup_inputs(seed: int = 0) -> dict:
    key = jax.random.key(seed)
    k1, k2, k3 = jax.random.split(key, 3)
    labels = jax.random.randint(k1, (BATCH,), 0, NUM_CLASSES)
    force_drop_ids = jax.random.randint(k2, (BATCH,), 0, 2)
    # embedding_table has num_classes + 1 rows (extra row = learned uncond token)
    table = jax.random.normal(k3, (NUM_CLASSES + 1, HIDDEN), dtype=jnp.float32) * 0.02
    return {"labels": labels, "train": 0, "force_drop_ids": force_drop_ids, "table": table}


def reference(labels, train, force_drop_ids, table):
    # labels = labels.long()
    labels = labels.astype(jnp.int32)
    # force_drop_ids is not None -> token_drop path is taken regardless of train flag
    drop_ids = force_drop_ids.astype(bool)
    labels = jnp.where(drop_ids, jnp.full_like(labels, UNCOND_ID), labels)
    # embedding lookup (gather)
    return jnp.take(table, labels, axis=0)

if __name__ == "__main__":
    import jax
    _d = setup_inputs()
    print(jax.jit(kernel)(*tuple(_d.values())))

</pallas_src>

<mosaic_0001>
#map = affine_map<(d0, d1) -> (0)>
#map1 = affine_map<(d0, d1) -> (0, 0)>
module attributes {stable_mosaic.version = 14 : i64} {
  func.func @emb_kernel(%arg0: i32, %arg1: i32, %arg2: memref<1024xi32, #tpu.memory_space<hbm>>, %arg3: memref<1024xi32, #tpu.memory_space<hbm>>, %arg4: memref<1001x1152xf32, #tpu.memory_space<hbm>>, %arg5: memref<1024x1152xf32, #tpu.memory_space<hbm>>, %arg6: memref<1001x1152xf32, #tpu.memory_space<vmem_shared>>, %arg7: memref<32xi32, #tpu.memory_space<vmem>>, %arg8: memref<32xi32, #tpu.memory_space<vmem>>, %arg9: memref<2x16xi32, #tpu.memory_space<vmem>>, %arg10: memref<16x1152xf32, #tpu.memory_space<vmem>>, %arg11: memref<16x1152xf32, #tpu.memory_space<vmem>>, %arg12: memref<16x1152xf32, #tpu.memory_space<vmem>>, %arg13: memref<!tpu.dma_semaphore, #tpu.memory_space<semaphore_mem>>, %arg14: memref<!tpu.dma_semaphore, #tpu.memory_space<semaphore_mem>>, %arg15: memref<!tpu.dma_semaphore, #tpu.memory_space<semaphore_mem>>, %arg16: memref<!tpu.dma_semaphore, #tpu.memory_space<semaphore_mem>>, %arg17: memref<!tpu.dma_semaphore, #tpu.memory_space<semaphore_mem>>, %arg18: memref<!tpu.dma_semaphore, #tpu.memory_space<semaphore_mem>>) attributes {dimension_semantics = [#tpu.dimension_semantics<core_parallel>, #tpu.dimension_semantics<subcore_parallel>], iteration_bounds = array<i64: 2, 16>, scalar_prefetch = 0 : i64, scratch_operands = 13 : i64, tpu.core_type = #tpu.core_type<sc_vector_subcore>, window_params = [{transform_indices = #map}, {transform_indices = #map}, {transform_indices = #map1}, {transform_indices = #map1}]} {
    %mul3A = arith.constant 2 : i32
    %mul3A_0 = arith.muli %arg1, %mul3A : i32
    %add3A = arith.addi %mul3A_0, %arg0 : i32
    %mul3A_1 = arith.constant 32 : i32
    %mul3A_2 = arith.muli %add3A, %mul3A_1 : i32
    %mul3A_3 = arith.constant 62 : i32
    %mul3A_4 = arith.muli %arg1, %mul3A_3 : i32
    %mul3A_5 = arith.constant 62 : i32
    %mul3A_6 = arith.muli %arg1, %mul3A_5 : i32
    "tpu.region"() ({
      %run_scoped3A = tpu.sem_alloc : memref<!tpu.dma_semaphore, #tpu.memory_space<semaphore_mem>>
      %dma_start3A_90 = arith.constant 0 : i32
      %dma_start3A_91 = tpu.memref_slice %arg6[%mul3A_6, %dma_start3A_90] : memref<1001x1152xf32, #tpu.memory_space<vmem_shared>> -> memref<62x1152xf32, #tpu.memory_space<vmem_shared>>
      %dma_start3A_92 = arith.constant 0 : i32
      %dma_start3A_93 = tpu.memref_slice %arg4[%mul3A_4, %dma_start3A_92] : memref<1001x1152xf32, #tpu.memory_space<hbm>> -> memref<62x1152xf32, #tpu.memory_space<hbm>>
      tpu.enqueue_dma source(%dma_start3A_93 : memref<62x1152xf32, #tpu.memory_space<hbm>>) target(%dma_start3A_91 : memref<62x1152xf32, #tpu.memory_space<vmem_shared>>) target_semaphore(%run_scoped3A : memref<!tpu.dma_semaphore, #tpu.memory_space<semaphore_mem>>)
      %dma_wait3A_94 = arith.constant 0 : i32
      %dma_wait3A_95 = tpu.memref_slice %arg6[%mul3A_6, %dma_wait3A_94] : memref<1001x1152xf32, #tpu.memory_space<vmem_shared>> -> memref<62x1152xf32, #tpu.memory_space<vmem_shared>>
      %dma_wait3A_96 = arith.constant 0 : i32
      %dma_wait3A_97 = tpu.memref_slice %arg4[%mul3A_4, %dma_wait3A_96] : memref<1001x1152xf32, #tpu.memory_space<hbm>> -> memref<62x1152xf32, #tpu.memory_space<hbm>>
      tpu.wait_dma2 semaphore(%run_scoped3A : memref<!tpu.dma_semaphore, #tpu.memory_space<semaphore_mem>>) src(%dma_wait3A_97 : memref<62x1152xf32, #tpu.memory_space<hbm>>) dst(%dma_wait3A_95 : memref<62x1152xf32, #tpu.memory_space<vmem_shared>>)
      tpu.yield
    }) : () -> ()
    %eq3A = arith.constant 15 : i32
    %eq3A_7 = arith.cmpi eq, %arg1, %eq3A : i32
    %convert_element_type3A = arith.extui %eq3A_7 : i1 to i32
    %cond3A = arith.constant 0 : i32
    %cond3A_8 = arith.cmpi ne, %convert_element_type3A, %cond3A : i32
    scf.if %cond3A_8 {
      "tpu.region"() ({
        %run_scoped3A = tpu.sem_alloc : memref<!tpu.dma_semaphore, #tpu.memory_space<semaphore_mem>>
        %dma_start3A_90 = arith.constant 992 : i32
        %dma_start3A_91 = arith.constant 0 : i32
        %dma_start3A_92 = tpu.memref_slice %arg6[%dma_start3A_90, %dma_start3A_91] : memref<1001x1152xf32, #tpu.memory_space<vmem_shared>> -> memref<9x1152xf32, #tpu.memory_space<vmem_shared>>
        %dma_start3A_93 = arith.constant 992 : i32
        %dma_start3A_94 = arith.constant 0 : i32
        %dma_start3A_95 = tpu.memref_slice %arg4[%dma_start3A_93, %dma_start3A_94] : memref<1001x1152xf32, #tpu.memory_space<hbm>> -> memref<9x1152xf32, #tpu.memory_space<hbm>>
        tpu.enqueue_dma source(%dma_start3A_95 : memref<9x1152xf32, #tpu.memory_space<hbm>>) target(%dma_start3A_92 : memref<9x1152xf32, #tpu.memory_space<vmem_shared>>) target_semaphore(%run_scoped3A : memref<!tpu.dma_semaphore, #tpu.memory_space<semaphore_mem>>)
        %dma_wait3A_96 = arith.constant 992 : i32
        %dma_wait3A_97 = arith.constant 0 : i32
        %dma_wait3A_98 = tpu.memref_slice %arg6[%dma_wait3A_96, %dma_wait3A_97] : memref<1001x1152xf32, #tpu.memory_space<vmem_shared>> -> memref<9x1152xf32, #tpu.memory_space<vmem_shared>>
        %dma_wait3A_99 = arith.constant 992 : i32
        %dma_wait3A_100 = arith.constant 0 : i32
        %dma_wait3A_101 = tpu.memref_slice %arg4[%dma_wait3A_99, %dma_wait3A_100] : memref<1001x1152xf32, #tpu.memory_space<hbm>> -> memref<9x1152xf32, #tpu.memory_space<hbm>>
        tpu.wait_dma2 semaphore(%run_scoped3A : memref<!tpu.dma_semaphore, #tpu.memory_space<semaphore_mem>>) src(%dma_wait3A_101 : memref<9x1152xf32, #tpu.memory_space<hbm>>) dst(%dma_wait3A_98 : memref<9x1152xf32, #tpu.memory_space<vmem_shared>>)
        tpu.yield
      }) : () -> ()
    } else {
    }
    "tpu.region"() ({
      %run_scoped3A = tpu.sem_alloc : memref<!tpu.dma_semaphore, #tpu.memory_space<semaphore_mem>>
      %dma_start3A_90 = tpu.memref_slice %arg2[%mul3A_2] : memref<1024xi32, #tpu.memory_space<hbm>> -> memref<32xi32, #tpu.memory_space<hbm>>
      %dma_start3A_91 = tpu.memref_slice %arg2[%mul3A_2] : memref<1024xi32, #tpu.memory_space<hbm>> -> memref<32xi32, #tpu.memory_space<hbm>>
      tpu.enqueue_dma source(%dma_start3A_91 : memref<32xi32, #tpu.memory_space<hbm>>) target(%arg7 : memref<32xi32, #tpu.memory_space<vmem>>) target_semaphore(%run_scoped3A : memref<!tpu.dma_semaphore, #tpu.memory_space<semaphore_mem>>)
      %dma_wait3A_92 = tpu.memref_slice %arg2[%mul3A_2] : memref<1024xi32, #tpu.memory_space<hbm>> -> memref<32xi32, #tpu.memory_space<hbm>>
      %dma_wait3A_93 = tpu.memref_slice %arg2[%mul3A_2] : memref<1024xi32, #tpu.memory_space<hbm>> -> memref<32xi32, #tpu.memory_space<hbm>>
      tpu.wait_dma2 semaphore(%run_scoped3A : memref<!tpu.dma_semaphore, #tpu.memory_space<semaphore_mem>>) src(%dma_wait3A_93 : memref<32xi32, #tpu.memory_space<hbm>>) dst(%arg7 : memref<32xi32, #tpu.memory_space<vmem>>)
      tpu.yield
    }) : () -> ()
    "tpu.region"() ({
      %run_scoped3A = tpu.sem_alloc : memref<!tpu.dma_semaphore, #tpu.memory_space<semaphore_mem>>
      %dma_start3A_90 = tpu.memref_slice %arg3[%mul3A_2] : memref<1024xi32, #tpu.memory_space<hbm>> -> memref<32xi32, #tpu.memory_space<hbm>>
      %dma_start3A_91 = tpu.memref_slice %arg3[%mul3A_2] : memref<1024xi32, #tpu.memory_space<hbm>> -> memref<32xi32, #tpu.memory_space<hbm>>
      tpu.enqueue_dma source(%dma_start3A_91 : memref<32xi32, #tpu.memory_space<hbm>>) target(%arg8 : memref<32xi32, #tpu.memory_space<vmem>>) target_semaphore(%run_scoped3A : memref<!tpu.dma_semaphore, #tpu.memory_space<semaphore_mem>>)
      %dma_wait3A_92 = tpu.memref_slice %arg3[%mul3A_2] : memref<1024xi32, #tpu.memory_space<hbm>> -> memref<32xi32, #tpu.memory_space<hbm>>
      %dma_wait3A_93 = tpu.memref_slice %arg3[%mul3A_2] : memref<1024xi32, #tpu.memory_space<hbm>> -> memref<32xi32, #tpu.memory_space<hbm>>
      tpu.wait_dma2 semaphore(%run_scoped3A : memref<!tpu.dma_semaphore, #tpu.memory_space<semaphore_mem>>) src(%dma_wait3A_93 : memref<32xi32, #tpu.memory_space<hbm>>) dst(%arg8 : memref<32xi32, #tpu.memory_space<vmem>>)
      tpu.yield
    }) : () -> ()
    %get3A = arith.constant 0 : index
    %get3A_9 = tpu.vector_load %arg7[%get3A] {strides = array<i32>} : memref<32xi32, #tpu.memory_space<vmem>>, vector<16xi32>,
    %get3A_10 = vector.shape_cast %get3A_9 : vector<16xi32> to vector<16xi32>
    %get3A_11 = arith.constant 0 : index
    %get3A_12 = tpu.vector_load %arg8[%get3A_11] {strides = array<i32>} : memref<32xi32, #tpu.memory_space<vmem>>, vector<16xi32>,
    %get3A_13 = vector.shape_cast %get3A_12 : vector<16xi32> to vector<16xi32>
    %ne3A = arith.constant 0 : i32
    %ne3A_14 = vector.broadcast %ne3A : i32 to vector<16xi32>
    %ne3A_15 = arith.cmpi ne, %get3A_13, %ne3A_14 : vector<16xi32>
    %broadcast_in_dim3A = arith.constant 1000 : i32
    %broadcast_in_dim3A_16 = vector.broadcast %broadcast_in_dim3A : i32 to vector<16xi32>
    %select_n3A = arith.select %ne3A_15, %broadcast_in_dim3A_16, %get3A_10 : vector<16xi1>, vector<16xi32>
    %swap3A = arith.constant 0 : i32
    %swap3A_17 = arith.index_cast %swap3A : i32 to index
    %swap3A_18 = arith.constant 0 : index
    %swap3A_19 = tpu.vector_load %arg9[%swap3A_17, %swap3A_18] {strides = array<i32>} : memref<2x16xi32, #tpu.memory_space<vmem>>, vector<1x16xi32>,
    %swap3A_20 = vector.shape_cast %swap3A_19 : vector<1x16xi32> to vector<16xi32>
    %swap3A_21 = vector.shape_cast %select_n3A : vector<16xi32> to vector<1x16xi32>
    tpu.vector_store %arg9[%swap3A_17, %swap3A_18], %swap3A_21 {strides = array<i32>} : memref<2x16xi32, #tpu.memory_space<vmem>>, vector<1x16xi32>,
    %get3A_22 = arith.constant 16 : index
    %get3A_23 = tpu.vector_load %arg7[%get3A_22] {strides = array<i32>} : memref<32xi32, #tpu.memory_space<vmem>>, vector<16xi32>,
    %get3A_24 = vector.shape_cast %get3A_23 : vector<16xi32> to vector<16xi32>
    %get3A_25 = arith.constant 16 : index
    %get3A_26 = tpu.vector_load %arg8[%get3A_25] {strides = array<i32>} : memref<32xi32, #tpu.memory_space<vmem>>, vector<16xi32>,
    %get3A_27 = vector.shape_cast %get3A_26 : vector<16xi32> to vector<16xi32>
    %ne3A_28 = arith.constant 0 : i32
    %ne3A_29 = vector.broadcast %ne3A_28 : i32 to vector<16xi32>
    %ne3A_30 = arith.cmpi ne, %get3A_27, %ne3A_29 : vector<16xi32>
    %broadcast_in_dim3A_31 = arith.constant 1000 : i32
    %broadcast_in_dim3A_32 = vector.broadcast %broadcast_in_dim3A_31 : i32 to vector<16xi32>
    %select_n3A_33 = arith.select %ne3A_30, %broadcast_in_dim3A_32, %get3A_24 : vector<16xi1>, vector<16xi32>
    %swap3A_34 = arith.constant 1 : i32
    %swap3A_35 = arith.index_cast %swap3A_34 : i32 to index
    %swap3A_36 = arith.constant 0 : index
    %swap3A_37 = tpu.vector_load %arg9[%swap3A_35, %swap3A_36] {strides = array<i32>} : memref<2x16xi32, #tpu.memory_space<vmem>>, vector<1x16xi32>,
    %swap3A_38 = vector.shape_cast %swap3A_37 : vector<1x16xi32> to vector<16xi32>
    %swap3A_39 = vector.shape_cast %select_n3A_33 : vector<16xi32> to vector<1x16xi32>
    tpu.vector_store %arg9[%swap3A_35, %swap3A_36], %swap3A_39 {strides = array<i32>} : memref<2x16xi32, #tpu.memory_space<vmem>>, vector<1x16xi32>,
    %barrier3A = arith.constant 0 : index
    tpu.barrier barrier_id(%barrier3A)
    %dma_start3A = arith.constant 0 : i32
    %dma_start3A_40 = arith.constant 0 : i32
    %dma_start3A_41 = tpu.memref_slice %arg9[%dma_start3A, %dma_start3A_40] : memref<2x16xi32, #tpu.memory_space<vmem>> -> memref<1x16xi32, #tpu.memory_space<vmem>>
    %dma_start3A_42 = tpu.memref_squeeze %dma_start3A_41 : memref<1x16xi32, #tpu.memory_space<vmem>> -> memref<16xi32, #tpu.memory_space<vmem>>
    %dma_start3A_43 = arith.constant 0 : i32
    %dma_start3A_44 = arith.constant 0 : i32
    %dma_start3A_45 = tpu.memref_slice %arg6[%dma_start3A_43, %dma_start3A_44] : memref<1001x1152xf32, #tpu.memory_space<vmem_shared>> -> memref<1001x1152xf32, #tpu.memory_space<vmem_shared>>
    tpu.enqueue_indirect_dma source(%dma_start3A_45 : memref<1001x1152xf32, #tpu.memory_space<vmem_shared>>) target(%arg10 : memref<16x1152xf32, #tpu.memory_space<vmem>>) offsets(%dma_start3A_42 : memref<16xi32, #tpu.memory_space<vmem>>) semaphore(%arg13 : memref<!tpu.dma_semaphore, #tpu.memory_space<semaphore_mem>>)
    %dma_start3A_46 = arith.constant 1 : i32
    %dma_start3A_47 = arith.constant 0 : i32
    %dma_start3A_48 = tpu.memref_slice %arg9[%dma_start3A_46, %dma_start3A_47] : memref<2x16xi32, #tpu.memory_space<vmem>> -> memref<1x16xi32, #tpu.memory_space<vmem>>
    %dma_start3A_49 = tpu.memref_squeeze %dma_start3A_48 : memref<1x16xi32, #tpu.memory_space<vmem>> -> memref<16xi32, #tpu.memory_space<vmem>>
    %dma_start3A_50 = arith.constant 0 : i32
    %dma_start3A_51 = arith.constant 0 : i32
    %dma_start3A_52 = tpu.memref_slice %arg6[%dma_start3A_50, %dma_start3A_51] : memref<1001x1152xf32, #tpu.memory_space<vmem_shared>> -> memref<1001x1152xf32, #tpu.memory_space<vmem_shared>>
    tpu.enqueue_indirect_dma source(%dma_start3A_52 : memref<1001x1152xf32, #tpu.memory_space<vmem_shared>>) target(%arg11 : memref<16x1152xf32, #tpu.memory_space<vmem>>) offsets(%dma_start3A_49 : memref<16xi32, #tpu.memory_space<vmem>>) semaphore(%arg14 : memref<!tpu.dma_semaphore, #tpu.memory_space<semaphore_mem>>)
    %dma_wait3A = arith.constant 0 : i32
    %dma_wait3A_53 = arith.constant 0 : i32
    %dma_wait3A_54 = tpu.memref_slice %arg9[%dma_wait3A, %dma_wait3A_53] : memref<2x16xi32, #tpu.memory_space<vmem>> -> memref<1x16xi32, #tpu.memory_space<vmem>>
    %dma_wait3A_55 = tpu.memref_squeeze %dma_wait3A_54 : memref<1x16xi32, #tpu.memory_space<vmem>> -> memref<16xi32, #tpu.memory_space<vmem>>
    %dma_wait3A_56 = arith.constant 0 : i32
    %dma_wait3A_57 = arith.constant 0 : i32
    %dma_wait3A_58 = tpu.memref_slice %arg6[%dma_wait3A_56, %dma_wait3A_57] : memref<1001x1152xf32, #tpu.memory_space<vmem_shared>> -> memref<1001x1152xf32, #tpu.memory_space<vmem_shared>>
    tpu.wait_indirect_dma semaphore(%arg13 : memref<!tpu.dma_semaphore, #tpu.memory_space<semaphore_mem>>) src(%dma_wait3A_58 : memref<1001x1152xf32, #tpu.memory_space<vmem_shared>>) dst(%arg10 : memref<16x1152xf32, #tpu.memory_space<vmem>>)
    %add3A_59 = arith.constant 0 : i32
    %add3A_60 = arith.addi %mul3A_2, %add3A_59 : i32
    %dma_start3A_61 = arith.constant 0 : i32
    %dma_start3A_62 = tpu.memref_slice %arg5[%add3A_60, %dma_start3A_61] : memref<1024x1152xf32, #tpu.memory_space<hbm>> -> memref<16x1152xf32, #tpu.memory_space<hbm>>
    %dma_start3A_63 = arith.constant 0 : i32
    %dma_start3A_64 = tpu.memref_slice %arg5[%add3A_60, %dma_start3A_63] : memref<1024x1152xf32, #tpu.memory_space<hbm>> -> memref<16x1152xf32, #tpu.memory_space<hbm>>
    tpu.enqueue_dma source(%arg10 : memref<16x1152xf32, #tpu.memory_space<vmem>>) target(%dma_start3A_64 : memref<16x1152xf32, #tpu.memory_space<hbm>>) target_semaphore(%arg16 : memref<!tpu.dma_semaphore, #tpu.memory_space<semaphore_mem>>)
    %dma_wait3A_65 = arith.constant 1 : i32
    %dma_wait3A_66 = arith.constant 0 : i32
    %dma_wait3A_67 = tpu.memref_slice %arg9[%dma_wait3A_65, %dma_wait3A_66] : memref<2x16xi32, #tpu.memory_space<vmem>> -> memref<1x16xi32, #tpu.memory_space<vmem>>
    %dma_wait3A_68 = tpu.memref_squeeze %dma_wait3A_67 : memref<1x16xi32, #tpu.memory_space<vmem>> -> memref<16xi32, #tpu.memory_space<vmem>>
    %dma_wait3A_69 = arith.constant 0 : i32
    %dma_wait3A_70 = arith.constant 0 : i32
    %dma_wait3A_71 = tpu.memref_slice %arg6[%dma_wait3A_69, %dma_wait3A_70] : memref<1001x1152xf32, #tpu.memory_space<vmem_shared>> -> memref<1001x1152xf32, #tpu.memory_space<vmem_shared>>
    tpu.wait_indirect_dma semaphore(%arg14 : memref<!tpu.dma_semaphore, #tpu.memory_space<semaphore_mem>>) src(%dma_wait3A_71 : memref<1001x1152xf32, #tpu.memory_space<vmem_shared>>) dst(%arg11 : memref<16x1152xf32, #tpu.memory_space<vmem>>)
    %add3A_72 = arith.constant 16 : i32
    %add3A_73 = arith.addi %mul3A_2, %add3A_72 : i32
    %dma_start3A_74 = arith.constant 0 : i32
    %dma_start3A_75 = tpu.memref_slice %arg5[%add3A_73, %dma_start3A_74] : memref<1024x1152xf32, #tpu.memory_space<hbm>> -> memref<16x1152xf32, #tpu.memory_space<hbm>>
    %dma_start3A_76 = arith.constant 0 : i32
    %dma_start3A_77 = tpu.memref_slice %arg5[%add3A_73, %dma_start3A_76] : memref<1024x1152xf32, #tpu.memory_space<hbm>> -> memref<16x1152xf32, #tpu.memory_space<hbm>>
    tpu.enqueue_dma source(%arg11 : memref<16x1152xf32, #tpu.memory_space<vmem>>) target(%dma_start3A_77 : memref<16x1152xf32, #tpu.memory_space<hbm>>) target_semaphore(%arg17 : memref<!tpu.dma_semaphore, #tpu.memory_space<semaphore_mem>>)
    %add3A_78 = arith.constant 0 : i32
    %add3A_79 = arith.addi %mul3A_2, %add3A_78 : i32
    %dma_wait3A_80 = arith.constant 0 : i32
    %dma_wait3A_81 = tpu.memref_slice %arg5[%add3A_79, %dma_wait3A_80] : memref<1024x1152xf32, #tpu.memory_space<hbm>> -> memref<16x1152xf32, #tpu.memory_space<hbm>>
    %dma_wait3A_82 = arith.constant 0 : i32
    %dma_wait3A_83 = tpu.memref_slice %arg5[%add3A_79, %dma_wait3A_82] : memref<1024x1152xf32, #tpu.memory_space<hbm>> -> memref<16x1152xf32, #tpu.memory_space<hbm>>
    tpu.wait_dma2 semaphore(%arg16 : memref<!tpu.dma_semaphore, #tpu.memory_space<semaphore_mem>>) src(%arg10 : memref<16x1152xf32, #tpu.memory_space<vmem>>) dst(%dma_wait3A_83 : memref<16x1152xf32, #tpu.memory_space<hbm>>)
    %add3A_84 = arith.constant 16 : i32
    %add3A_85 = arith.addi %mul3A_2, %add3A_84 : i32
    %dma_wait3A_86 = arith.constant 0 : i32
    %dma_wait3A_87 = tpu.memref_slice %arg5[%add3A_85, %dma_wait3A_86] : memref<1024x1152xf32, #tpu.memory_space<hbm>> -> memref<16x1152xf32, #tpu.memory_space<hbm>>
    %dma_wait3A_88 = arith.constant 0 : i32
    %dma_wait3A_89 = tpu.memref_slice %arg5[%add3A_85, %dma_wait3A_88] : memref<1024x1152xf32, #tpu.memory_space<hbm>> -> memref<16x1152xf32, #tpu.memory_space<hbm>>
    tpu.wait_dma2 semaphore(%arg17 : memref<!tpu.dma_semaphore, #tpu.memory_space<semaphore_mem>>) src(%arg11 : memref<16x1152xf32, #tpu.memory_space<vmem>>) dst(%dma_wait3A_89 : memref<16x1152xf32, #tpu.memory_space<hbm>>)
    return
  }
}

module attributes {stable_mosaic.version = 14 : i64} {
  func.func @_tc_body(%arg0: i32, %arg1: memref<64x256xi32, #tpu.memory_space<vmem>>, %arg2: memref<64x256xi32, #tpu.memory_space<vmem>>, %arg3: memref<1001x1152xf32, #tpu.memory_space<vmem>>, %arg4: memref<256x1152xf32, #tpu.memory_space<vmem>>, %arg5: memref<256x1152xf32, #tpu.memory_space<vmem>>) attributes {dimension_semantics = [#tpu.dimension_semantics<arbitrary>], iteration_bounds = array<i64: 64>, scalar_prefetch = 0 : i64, scratch_operands = 0 : i64, tpu.core_type = #tpu.core_type<tc>, window_params = [{pipeline_mode = #tpu.pipeline_mode<synchronous>, transform_indices = @transform_0, window_bounds = array<i64: 64, 256>}, {pipeline_mode = #tpu.pipeline_mode<synchronous>, transform_indices = @transform_1, window_bounds = array<i64: 64, 256>}, {pipeline_mode = #tpu.pipeline_mode<synchronous>, transform_indices = @transform_2, window_bounds = array<i64: 1001, 1152>}, {transform_indices = @transform_3, window_bounds = array<i64: 256, 1152>}, {transform_indices = @transform_4, window_bounds = array<i64: 256, 1152>}]} {
    %lt3A = arith.constant 4 : i32
    %lt3A_0 = arith.cmpi slt, %arg0, %lt3A : i32
    %convert_element_type3A = arith.extui %lt3A_0 : i1 to i32
    %cond3A = arith.constant 0 : i32
    %cond3A_1 = arith.cmpi ne, %convert_element_type3A, %cond3A : i32
    scf.if %cond3A_1 {
      %get3A = arith.constant 0 : index
      %get3A_6 = arith.constant 0 : index
      %get3A_7 = vector.load %arg4[%get3A, %get3A_6] : memref<256x1152xf32, #tpu.memory_space<vmem>>, vector<256x1152xf32>
      %swap3A = arith.constant 0 : index
      %swap3A_8 = arith.constant 0 : index
      %swap3A_9 = vector.load %arg5[%swap3A, %swap3A_8] : memref<256x1152xf32, #tpu.memory_space<vmem>>, vector<256x1152xf32>
      tpu.vector_store %arg5[%swap3A, %swap3A_8], %get3A_7 {strides = array<i32>} : memref<256x1152xf32, #tpu.memory_space<vmem>>, vector<256x1152xf32>,
    } else {
    }
    %ge3A = arith.constant 4 : i32
    %ge3A_2 = arith.cmpi sge, %arg0, %ge3A : i32
    %convert_element_type3A_3 = arith.extui %ge3A_2 : i1 to i32
    %cond3A_4 = arith.constant 0 : i32
    %cond3A_5 = arith.cmpi ne, %convert_element_type3A_3, %cond3A_4 : i32
    scf.if %cond3A_5 {
      %get3A = arith.index_cast %arg0 : i32 to index
      %get3A_6 = arith.constant 0 : index
      %get3A_7 = vector.load %arg1[%get3A, %get3A_6] : memref<64x256xi32, #tpu.memory_space<vmem>>, vector<1x256xi32>
      %get3A_8 = vector.shape_cast %get3A_7 : vector<1x256xi32> to vector<256xi32>
      %get3A_9 = arith.index_cast %arg0 : i32 to index
      %get3A_10 = arith.constant 0 : index
      %get3A_11 = vector.load %arg2[%get3A_9, %get3A_10] : memref<64x256xi32, #tpu.memory_space<vmem>>, vector<1x256xi32>
      %get3A_12 = vector.shape_cast %get3A_11 : vector<1x256xi32> to vector<256xi32>
      %ne3A = arith.constant 0 : i32
      %ne3A_13 = vector.broadcast %ne3A : i32 to vector<256xi32>
      %ne3A_14 = arith.cmpi ne, %get3A_12, %ne3A_13 : vector<256xi32>
      %jit3A = arith.constant 1000 : i32
      %broadcast_in_dim3A = vector.broadcast %jit3A : i32 to vector<256xi32>
      %select_n3A = arith.select %ne3A_14, %broadcast_in_dim3A, %get3A_8 : vector<256xi1>, vector<256xi32>
      %broadcast_in_dim3A_15 = vector.shape_cast %select_n3A : vector<256xi32> to vector<256x1xi32>
      %iota3A = tpu.iota {dimensions = array<i32: 1>} : vector<256x1001xi32>
      %eq3A = vector.broadcast %broadcast_in_dim3A_15 : vector<256x1xi32> to vector<256x1001xi32>
      %eq3A_16 = arith.cmpi eq, %eq3A, %iota3A : vector<256x1001xi32>
      %convert_element_type3A_17 = arith.extui %eq3A_16 : vector<256x1001xi1> to vector<256x1001xi32>
      %convert_element_type3A_18 = arith.sitofp %convert_element_type3A_17 : vector<256x1001xi32> to vector<256x1001xf32>
      %get3A_19 = arith.constant 0 : index
      %get3A_20 = arith.constant 0 : index
      %get3A_21 = vector.load %arg3[%get3A_19, %get3A_20] : memref<1001x1152xf32, #tpu.memory_space<vmem>>, vector<1001x1152xf32>
      %dot_general3A = arith.constant dense<0.000000e+00> : vector<256x1152xf32>
      %dot_general3A_22 = tpu.matmul %convert_element_type3A_18, %get3A_21, %dot_general3A {dimension_numbers = #tpu.dot_dimension_numbers<[1], [0], [0], [1], [0, 0, 1, 1], [], []>, transpose_lhs_hint = false} : vector<256x1001xf32>, vector<1001x1152xf32>, vector<256x1152xf32> -> vector<256x1152xf32>
      %swap3A = arith.constant 0 : index
      %swap3A_23 = arith.constant 0 : index
      %swap3A_24 = vector.load %arg5[%swap3A, %swap3A_23] : memref<256x1152xf32, #tpu.memory_space<vmem>>, vector<256x1152xf32>
      tpu.vector_store %arg5[%swap3A, %swap3A_23], %dot_general3A_22 {strides = array<i32>} : memref<256x1152xf32, #tpu.memory_space<vmem>>, vector<256x1152xf32>,
    } else {
    }
    return
  }
  func.func @transform_0(%arg0: i32) -> (i32, i32) {
    %c0_i32 = arith.constant 0 : i32
    %c0_i32_0 = arith.constant 0 : i32
    %c0_i32_1 = arith.constant 0 : i32
    return %c0_i32, %c0_i32_0 : i32, i32
  }
  func.func @transform_1(%arg0: i32) -> (i32, i32) {
    %c0_i32 = arith.constant 0 : i32
    %c0_i32_0 = arith.constant 0 : i32
    %c0_i32_1 = arith.constant 0 : i32
    return %c0_i32, %c0_i32_0 : i32, i32
  }
  func.func @transform_2(%arg0: i32) -> (i32, i32) {
    %c0_i32 = arith.constant 0 : i32
    %c0_i32_0 = arith.constant 0 : i32
    %c0_i32_1 = arith.constant 0 : i32
    return %c0_i32, %c0_i32_0 : i32, i32
  }
  func.func @transform_3(%arg0: i32) -> (i32, i32) {
    %min3A = arith.constant 3 : i32
    %min3A_0 = arith.minsi %arg0, %min3A : i32
    %c0_i32 = arith.constant 0 : i32
    %c0_i32_1 = arith.constant 0 : i32
    return %min3A_0, %c0_i32 : i32, i32
  }
  func.func @transform_4(%arg0: i32) -> (i32, i32) {
    %c0_i32 = arith.constant 0 : i32
    %c0_i32_0 = arith.constant 0 : i32
    return %arg0, %c0_i32 : i32, i32
  }
}

</mosaic_0001>

<sc_bundles>
// kernel: kernel.4.cloned.1.call-start
scs
__scs_entry_jumppad:
0x0: {  	(pc) =	sbr.rel $0x88, $3  }
0x1: {  	(tag) =	ssettag $0x0;
	lr =	simm.s32 $0x1  }
0x2: {  	[smem:$0x3F9E] =	sst lr;
	_ =	strace $0xD0000000  }
0x3: {  	_ = 	snop  }
0x4: {  	_ = 	snop  }
0x5: {  	_ = 	snop  }
0x6: {  	_ = 	snop  }
0x7: {  	_ = 	snop  }
__scs_overlays_trampoline_lowered:
0x8: {  	[smem:$0x3FAD] =	sst s0  }
0x9: {  	[smem:$0x3FAE] =	sst s1  }
0xa: {  	[smem:$0x3FAF] =	sst s2  }
0xb: {  	[smem:$0x3FB0] =	sst s3  }
0xc: {  	[smem:$0x3FB1] =	sst s4  }
0xd: {  	[smem:$0x3FB2] =	sst s5  }
0xe: {  	[smem:$0x3FB3] =	sst s6  }
0xf: {  	[smem:$0x3FB4] =	sst s7  }
0x10: {  	[smem:$0x3FB5] =	sst s8  }
0x11: {  	[smem:$0x3FB6] =	sst s9;
	s0 =	simm.s32 @!p0 $0x0  }
0x12: {  	s1 =	sld [smem:$0x3F9C];
	s0 =	simm.s32 @p0 $0x1  }
0x13: {  	[smem:$0x3FB7] =	sst s0;
	s0 =	simm.s32 @!p1 $0x0  }
0x14: {  	s2 =	sld [smem:$0x3F9B];
	s0 =	simm.s32 @p1 $0x1  }
0x15: {  	[smem:$0x3FB8] =	sst s0;
	s0 =	simm.s32 @!p2 $0x0  }
0x16: {  	s3 =	sld [smem:$0x3FDB];
	s0 =	simm.s32 @p2 $0x1  }
0x17: {  	s4 =	simm.s32 $0x1BF5;
	[smem:$0x3FBA] =	sst s0  }
0x18: {  	s0 =	sld [smem:$0x3F9D];
	_ =	swait.ge [sflag:s4], $0x0  }
0x19: {  	s7 =	sld [smem:$0x3F9E]  }
0x1a: {  	s8 =	sadd.s32 $0xFFFFE003, lr  }
0x1b: {  	s9 =	sadd.s32 $0xFFFFFEF7, lr;
	s5 =	simm.s32 $0xFFFFFFFF;
	p2 =	slt.u32 s8, $0xFFFFF086  }
0x1c: {  	p1 =	slt.u32 s9, $0xF7A;
	s5 =	simm.s32 @!p2 $0x0  }
0x1d: {  	s5 =	simm.s32 @p1 $0x1;
	p0 =	seq.s32 s7, s2  }
0x1e: {  	s7 =	smul.u32 @!p0 $0xF7A, s2;
	p2 =	seq.s32 @!p0 s5, $0x0  }
0x1f: {  	s9 =	smul.u32 $0xF7A, s1;
	s8 =	simm.s32 @!p0 $0x1BF5;
	p2 =	por !p2, p0  }
0x20: {  	[sflag:s8] =	ssyncset.s32 @!p0 $0xFFFFF086;
	s6 =	sadd.s32 @!p0 s3, s7;
	s7 =	simm.s32 @!p0 $0x108  }
0x21: {  	s3 =	sadd.s32 s3, s9;
	s6 =	sadd.s32 @!p0 $0x88, s6;
	s7 =	simm.s32 @p2 $0x1082  }
0x22: {  	[simem:s7], [sflag:s8] =	dma.local @!p0 [hbm:s6], $0xF7A  }
0x23: {  	s9 =	sor.u32 $0xD0000000, s2;
	s6 =	simm.s32 $0x108;
	_ =	swait.ge @!p0 [sflag:s8], $0x0  }
0x24: {  	s3 =	sadd.s32 $0x88, s3;
	s6 =	simm.s32 @!p1 $0x1082;
	[sflag:s4] =	ssyncset.s32 $0xFFFFF086  }
0x25: {  	[simem:s6], [sflag:s4] =	dma.local [hbm:s3], $0xF7A  }
0x26: {  	[smem:$0x3F9E] =	sst s1;
	(tag) =	ssettag s2;
	_ =	strace s9  }
0x27: {  	s1 =	sld [smem:$0x3FAE]  }
0x28: {  	s2 =	sld [smem:$0x3FAF]  }
0x29: {  	s4 =	sld [smem:$0x3FB1]  }
0x2a: {  	p0 =	seq.s32 s5, $0x0;
	s5 =	sld [smem:$0x3FB2]  }
0x2b: {  	s6 =	sld [smem:$0x3FB3]  }
0x2c: {  	s7 =	sld [smem:$0x3FB4]  }
0x2d: {  	s3 =	simm.s32 $0x108;
	s8 =	sld [smem:$0x3FB5]  }
0x2e: {  	s3 =	simm.s32 @!p0 $0x1082;
	s9 =	sld [smem:$0x3FB6]  }
0x2f: {  	lr =	sadd.s32 s0, s3;
	s0 =	sld [smem:$0x3FAD]  }
0x30: {  	s3 =	sld [smem:$0x3FB0]  }
0x31: {  	[smem:$0x3FB9] =	sst s10  }
0x32: {  	s10 =	sld [smem:$0x3FB7];
	_ =	sdelay $0x3  }
0x33: {  	p0 =	seq.s32 s10, $0x1;
	s10 =	sld [smem:$0x3FB9];
	_ =	sdelay $0x3  }
0x34: {  	[smem:$0x3FB9] =	sst s10  }
0x35: {  	s10 =	sld [smem:$0x3FB8];
	_ =	sdelay $0x3  }
0x36: {  	p1 =	seq.s32 s10, $0x1;
	s10 =	sld [smem:$0x3FB9];
	_ =	sdelay $0x3  }
0x37: {  	[smem:$0x3FB9] =	sst s10  }
0x38: {  	s10 =	sld [smem:$0x3FBA]  }
0x39: {  	_ = 	snop;
	(pc) =	sbr.ind lr, $3  }
0x3a: {  	_ = 	snop  }
0x3b: {  	_ = 	snop  }
0x3c: {  	p2 =	seq.s32 s10, $0x1;
	s10 =	sld [smem:$0x3FB9]  }
0x3d: {  	_ =	shalt  }
0x3e: {  	_ =	shalt  }
0x3f: {  	_ =	shalt  }
0x40: {  	_ =	shalt  }
0x41: {  	_ =	shalt  }
0x42: {  	_ =	shalt  }
0x43: {  	_ =	shalt  }
0x44: {  	_ =	shalt  }
0x45: {  	_ =	shalt  }
0x46: {  	_ =	shalt  }
0x47: {  	_ =	shalt  }
0x48: {  	_ =	shalt  }
0x49: {  	_ =	shalt  }
0x4a: {  	_ =	shalt  }
0x4b: {  	_ =	shalt  }
0x4c: {  	_ =	shalt  }
0x4d: {  	_ =	shalt  }
0x4e: {  	_ =	shalt  }
0x4f: {  	_ =	shalt  }
0x50: {  	_ =	shalt  }
0x51: {  	_ =	shalt  }
0x52: {  	_ =	shalt  }
0x53: {  	_ =	shalt  }
0x54: {  	_ =	shalt  }
0x55: {  	_ =	shalt  }
0x56: {  	_ =	shalt  }
0x57: {  	_ =	shalt  }
0x58: {  	_ =	shalt  }
0x59: {  	_ =	shalt  }
0x5a: {  	_ =	shalt  }
0x5b: {  	_ =	shalt  }
0x5c: {  	_ =	shalt  }
0x5d: {  	_ =	shalt  }
0x5e: {  	_ =	shalt  }
0x5f: {  	_ =	shalt  }
0x60: {  	_ =	shalt  }
0x61: {  	_ =	shalt  }
0x62: {  	_ =	shalt  }
0x63: {  	_ =	shalt  }
0x64: {  	_ =	shalt  }
0x65: {  	_ =	shalt  }
0x66: {  	_ =	shalt  }
0x67: {  	_ =	shalt  }
0x68: {  	_ =	shalt  }
0x69: {  	_ =	shalt  }
0x6a: {  	_ =	shalt  }
0x6b: {  	_ =	shalt  }
0x6c: {  	_ =	shalt  }
0x6d: {  	_ =	shalt  }
0x6e: {  	_ =	shalt  }
0x6f: {  	_ =	shalt  }
0x70: {  	_ =	shalt  }
0x71: {  	_ =	shalt  }
0x72: {  	_ =	shalt  }
0x73: {  	_ =	shalt  }
0x74: {  	_ =	shalt  }
0x75: {  	_ =	shalt  }
0x76: {  	_ =	shalt  }
0x77: {  	_ =	shalt  }
0x78: {  	_ =	shalt  }
0x79: {  	_ =	shalt  }
0x7a: {  	_ =	shalt  }
0x7b: {  	_ =	shalt  }
0x7c: {  	_ =	shalt  }
0x7d: {  	_ =	shalt  }
0x7e: {  	_ =	shalt  }
0x7f: {  	_ =	shalt  }
0x80: {  	_ =	shalt  }
0x81: {  	_ =	shalt  }
0x82: {  	_ =	shalt  }
0x83: {  	_ =	shalt  }
0x84: {  	_ =	shalt  }
0x85: {  	_ =	shalt  }
0x86: {  	_ =	shalt  }
0x87: {  	_ =	shalt  }
.Lfunc_end0:
.L_simem_size_0:
called_computation_lowered:
.L_overlay_start_0:
0x88: {  	s2 =	sld [smem:$0x3FD9]  }
0x89: {  	s3 =	sld [smem:$0x3FFE];
	_ =	sdelay $0x1  }
0x8a: {  	s1 =	srdreg.scid  }
0x8b: {  	s0 =	sand.u32 $0x1, s1  }
0x8c: {  	s17 =	sshll.u32 s0, $0xA;
	s2 =	sadd.s32 s3, s2  }
0x8d: {  	s2 =	sadd.s32 s2, s17  }
0x8e: {  	[smem:$0x3FC5] =	sst s2  }
0x8f: {  	_ = 	snop  }
0x90: {  	s2 =	sld [smem:$0x3FD0];
	(tm) =	ssettm $0x1  }
0x91: {  	s18 =	sld [smem:$0x3FFB];
	_ =	sdelay $0x3  }
0x92: {  	_ =	strace s18  }
0x93: {  	s3 =	sld [smem:$0x3FFC];
	_ =	sdelay $0x3  }
0x94: {  	_ =	strace s3  }
0x95: {  	s3 =	sld [smem:$0x3FFD];
	_ =	sdelay $0x3  }
0x96: {  	_ =	strace s3  }
0x97: {  	_ =	strace $0x8FFFFFFF  }
0x98: {  	s19 =	sld [smem:$0x3FDB];
	_ =	sdelay $0x1  }
0x99: {  	s4 =	simm.s32 $_scs_section_size  }
0x9a: {  	s5 =	simm.s32 $_size__tile_overlayer_lowered;
	s6 =	simm.s32 $_tile_overlayer_lowered  }
0x9b: {  	s22 =	simm.s32 $0x1BFF;
	s21 =	sshll.u32 s6, $0x1;
	s3 =	sadd.s32 s4, s19  }
0x9c: {  	s7 =	simm.s32 $0x0;
	s20 =	sshll.u32 s5, $0x1;
	s5 =	sadd.s32 s21, s3  }
0x9d: {  	[timem:s7], [sflag:s22] =	dma.local [hbm:s5], s20  }
0x9e: {  	_ =	swait.ge [sflag:s22], s20  }
0x9f: {  	s4 =	ssub.s32 $0x0, s20;
	[sflag:s22] =	ssyncset.done $0x0  }
0xa0: {  	[sflag:s22] =	ssyncadd.s32 s4;
	_ =	sdelay $0x1  }
0xa1: {  	s23 =	simm.s32 $0x1B8B  }
0xa2: {  	_ =	swait.ge [sflag:s23], $0x1  }
0xa3: {  	[sflag:s23] =	ssyncset.done $0x0  }
0xa4: {  	s25 =	simm.s32 $0x1B8E;
	s24 =	sld [smem:$0x3FFE];
	[sflag:s23] =	ssyncadd.s32 $0xFFFFFFFF  }
0xa5: {  	s26 =	simm.s32 $execute0_lowered;
	[smem:$0x3FD2] =	sst s25  }
0xa6: {  	s5 =	sshll.u32 s26, $0x1;
	_ =	strace $0x80000046;
	[dreg:$0x1] =	wrdreg $0xFFFFFFFF  }
0xa7: {  	s28 =	simm.s32 $_size_execute0_lowered;
	s3 =	sadd.s32 s3, s5;
	[dreg:$0x0] =	wrdreg $0x0  }
0xa8: {  	s5 =	sshll.u32 s28, $0x1;
	[dreg:$0x2] =	wrdreg s3  }
0xa9: {  	[dreg:$0x3] =	wrdreg s5  }
0xaa: {  	[dreg:$0x4] =	wrdreg $0xC0  }
0xab: {  	_ =	task [dreg:s7], $0x5FFFF  }
0xac: {  	[dreg:$0x1] =	wrdreg $0xFFFFFFFF  }
0xad: {  	[dreg:$0x0] =	wrdreg $0x60  }
0xae: {  	[dreg:$0x2] =	wrdreg s24  }
0xaf: {  	[dreg:$0x3] =	wrdreg s2  }
0xb0: {  	[dreg:$0x4] =	wrdreg $0x0  }
0xb1: {  	[dreg:$0x5] =	wrdreg $0x9  }
0xb2: {  	_ =	task.clear_ibuf [dreg:s7], $0x6FFFF;
	_ =	strace $0x90000046  }
0xb3: {  	s29 =	simm.s32 $0x9;
	_ =	strace $0x80000048  }
0xb4: {  	_ =	swait.ge [sflag:s29], $0x1  }
0xb5: {  	[sflag:s29] =	ssyncadd.s32 $0xFFFFFFFF  }
0xb6: {  	_ =	strace $0x90000048  }
0xb7: {  	_ =	sfence  }
0xb8: {  	s30 =	sld [smem:$0x0];
	_ =	sdelay $0x2  }
0xb9: {  	s31 =	sshll.u32 s1, $0xD;
	s1 =	sshrl.u32 s1, $0x2  }
0xba: {  	s3 =	sand.u32 $0x4000, s31;
	s1 =	sadd.s32 s1, s30  }
0xbb: {  	s0 =	sor.u32 s3, s0;
	s1 =	sshll.u32 s1, $0x11  }
0xbc: {  	s0 =	sor.u32 s1, s0  }
0xbd: {  	s0 =	sadd.s32 $0x8F2B, s0  }
0xbe: {  	[sflag:s0] =	ssyncadd.remote.s32 $0x1  }
0xbf: {  	_ =	sfence.sel $0xFFFF  }
0xc0: {  	[dreg:$0x0] =	wrdreg $0xFFFFFFFF;
	(pc) =	sbr.abs _section_cstart, $3  }
0xc1: {  	[dreg:$0x1] =	wrdreg $0xFFFFFFFF  }
0xc2: {  	_ =	task.clear_ibuf [dreg:s7], $0x2FFFF;
	_ =	strace $0x9FFFFFFF  }
0xc3: {  	(tm) =	ssettm $0x7FFFFFFF  }
tec
execute0_lowered:
.L_overlay_start_1:
0x0: {  	(tag) =	ssettag $0x1  }
0x1: {  	s11 =	rddreg [dreg:$0x0]  }
0x2: {  	s23 =	rddreg [dreg:$0x1]  }
0x3: {  	s2 =	rddreg [dreg:$0x2]  }
0x4: {  	s1 =	stileid.u32;
	s0 =	rddreg [dreg:$0x3]  }
0x5: {  	s3 =	simm.s32 $0x0;
	s5 =	srdreg.scid;
	s4 =	smul.u32 $0x11700, s1  }
0x6: {  	s7 =	simm.s32 $0x5;
	[smem:$0x7FF] =	sst s3;
	s21 =	sand.u32 $0x1, s5  }
0x7: {  	s8 =	sshll.u32 s1, $0x6;
	p0 =	sne.s32 s1, $0xF;
	s6 =	sshrl.u32 s4, $0x3  }
0x8: {  	_ =	strace $0x80000047;
	s30 =	sadd.s32 s4, s2;
	s29 =	sadd.s32 s6, s11  }
0x9: {  	s5 =	sor.u32 $0x1C05, s8;
	s6 =	sshrl.u32 s30, $0x3;
	s4 =	sadd.s32 $0x1400, s29  }
0xa: {  	[spmem:s6], [sflag:s5] =	dma.local [hbm:s4], $0x22E0  }
0xb: {  	s9 =	sshll.u32 s21, $0x5;
	s10 =	simm.s32 @!p0 $0x5;
	_ =	swait.ge [sflag:s7], $0x22E0  }
0xc: {  	s22 =	sor.u32 s9, s8;
	s9 =	sadd.s32 $0x117000, s2;
	[sflag:s7] =	ssyncset.done $0x0  }
0xd: {  	s8 =	sadd.s32 $0x24200, s11;
	s9 =	sshrl.u32 @!p0 s9, $0x3;
	[sflag:s7] =	ssyncadd.s32 $0xFFFFDD20  }
0xe: {  	[spmem:s9], [sflag:s5] =	dma.local @!p0 [hbm:s8], $0x510  }
0xf: {  	s12 =	sshrl.u32 s22, $0x3;
	_ =	swait.ge @!p0 [sflag:s10], $0x510  }
0x10: {  	s13 =	sadd.s32 s12, s11;
	[sflag:s10] =	ssyncset.done @!p0 $0x0  }
0x11: {  	s12 =	simm.s32 $0x11988;
	s11 =	sadd.s32 $0x1000, s13;
	[sflag:s10] =	ssyncadd.s32 @!p0 $0xFFFFFAF0  }
0x12: {  	[tilespmem:s12], [sflag:$0x5] =	stream.linear.gather [hbm4b:s11+s3], $0x20, $0x38;
	[tilespmem:$0x1A9E8] =	vst v63  }
0x13: {  	_ =	swait.ge [sflag:s7], $0x20  }
0x14: {  	[sflag:s7] =	ssyncset.done $0x0  }
0x15: {  	s14 =	simm.s32 $0x119A8;
	s13 =	sadd.s32 $0x1200, s13;
	[sflag:s7] =	ssyncadd.s32 $0xFFFFFFE0  }
0x16: {  	[tilespmem:s14], [sflag:$0x5] =	stream.linear.gather [hbm4b:s13+s3], $0x20, $0x38;
	[tilespmem:$0x1A9E8] =	vst v63  }
0x17: {  	_ =	swait.ge [sflag:s7], $0x20  }
0x18: {  	[sflag:s7] =	ssyncset.done $0x0  }
0x19: {  	[sflag:s7] =	ssyncadd.s32 $0xFFFFFFE0  }
0x1a: {  	v0 =	vld [tilespmem:$0x11988]  }
0x1b: {  	v1 =	vld [tilespmem:$0x119A8]  }
0x1c: {  	v2 =	vld [tilespmem:$0x119B8]  }
0x1d: {  	v3 =	vld [tilespmem:$0x11998];
	_ =	sdelay $0x2  }
0x1e: {  	vm0 =	veq.s32 v1, $0x0  }
0x1f: {  	vm15 =	veq.s32 v2, $0x0;
	v0 =	vnsel vm0, $0x3E8, v0  }
0x20: {  	s15 =	simm.s32 $0x10;
	s16 =	simm.s32 $0x119C8;
	v63 =	vnsel vm15, $0x3E8, v3;
	[tilespmem:$0x119C8] =	vst v0  }
0x21: {  	s17 =	simm.s32 $0x119E8;
	s18 =	simm.s32 $0x119D8;
	s19 =	simm.s32 $0x161E8;
	[tilespmem:$0x119D8] =	vst v63  }
0x22: {  	s25 =	ssub.s32 $0x2, s21;
	s24 =	smul.u32 $0x90, s22;
	[bflag:$0x0] =	sbarrier.arrive $0xFFFF  }
0x23: {  	[tilespmem:s17], [sflag:$0x1] =	stream.indirect.gather [spmem:s2], $0x480, s16, s15, $0xb8;
	[tilespmem:$0x1A9E8] =	vst v63  }
0x24: {  	s20 =	simm.s32 $0x1;
	s31 =	sshrl.u32 s25, $0x1;
	s22 =	smul.u32 $0x480, s22  }
0x25: {  	[tilespmem:s19], [sflag:$0x2] =	stream.indirect.gather [spmem:s2], $0x480, s18, s15, $0xb8;
	[tilespmem:$0x1A9E8] =	vst v63  }
0x26: {  	s21 =	sadd.s32 s23, s24;
	s24 =	ssub.s32 s25, s31;
	_ =	swait.ge [sflag:s20], $0x4800  }
0x27: {  	s26 =	sshrl.u32 s22, $0x3;
	s25 =	smax.u32 s24, $0x1;
	[sflag:s20] =	ssyncset.done $0x0  }
0x28: {  	s22 =	simm.s32 $0x2;
	s25 =	sadd.s32 $0xFFFFFFFF, s25;
	[sflag:s20] =	ssyncadd.s32 $0xFFFFB800  }
0x29: {  	[hbm4b:s21+s3] =	stream.linear.scatter [tilespmem:s17], [sflag:$0x3], $0x4800, $0x38;
	[tilespmem:$0x1A9E8] =	vst v63  }
0x2a: {  	p1 =	sne.s32 s25, $0x0;
	_ =	swait.ge [sflag:s22], $0x4800  }
.Ltmp0:
0x2b: {  	s23 =	sadd.s32 s23, s26;
	[sflag:s22] =	ssyncset.done $0x0;
	(pc) =	sbr.rel @!p1 .LBB2_2-.Ltmp0, $4  }
0x2c: {  	s24 =	simm.s32 $0x3;
	s23 =	sadd.s32 $0x900, s23;
	[sflag:s22] =	ssyncadd.s32 $0xFFFFB800  }
0x2d: {  	[hbm4b:s23+s3] =	stream.linear.scatter [tilespmem:s19], [sflag:$0x4], $0x4800, $0x38;
	[tilespmem:$0x1A9E8] =	vst v63  }
0x2e: {  	_ =	swait.ge [sflag:s24], $0x4800  }
0x2f: {  	s26 =	simm.s32 $0x4;
	[sflag:s24] =	ssyncset.done $0x0  }
.LBB2_1:
0x30: {  	s25 =	sadd.s32 $0xFFFFFFFF, s25;
	[sflag:s24] =	ssyncadd.s32 $0xFFFFB800  }
0x31: {  	p1 =	sne.s32 s25, $0x0;
	_ =	swait.ge [sflag:s26], $0x4800  }
0x32: {  	[sflag:s26] =	ssyncset.done $0x0  }
0x33: {  	[sflag:s26] =	ssyncadd.s32 $0xFFFFB800  }
0x34: {  	[spmem:s6], [sflag:s5] =	dma.local [hbm:s4], $0x22E0  }
0x35: {  	_ =	swait.ge [sflag:s7], $0x22E0  }
0x36: {  	[sflag:s7] =	ssyncset.done $0x0  }
0x37: {  	[sflag:s7] =	ssyncadd.s32 $0xFFFFDD20  }
0x38: {  	[spmem:s9], [sflag:s5] =	dma.local @!p0 [hbm:s8], $0x510  }
0x39: {  	_ =	swait.ge @!p0 [sflag:s10], $0x510  }
0x3a: {  	[sflag:s10] =	ssyncset.done @!p0 $0x0  }
0x3b: {  	[sflag:s10] =	ssyncadd.s32 @!p0 $0xFFFFFAF0  }
0x3c: {  	[tilespmem:s12], [sflag:$0x5] =	stream.linear.gather [hbm4b:s11+s3], $0x20, $0x38;
	[tilespmem:$0x1A9E8] =	vst v63  }
0x3d: {  	_ =	swait.ge [sflag:s7], $0x20  }
0x3e: {  	[sflag:s7] =	ssyncset.done $0x0  }
0x3f: {  	[sflag:s7] =	ssyncadd.s32 $0xFFFFFFE0  }
0x40: {  	[tilespmem:s14], [sflag:$0x5] =	stream.linear.gather [hbm4b:s13+s3], $0x20, $0x38;
	[tilespmem:$0x1A9E8] =	vst v63  }
0x41: {  	_ =	swait.ge [sflag:s7], $0x20  }
0x42: {  	[sflag:s7] =	ssyncset.done $0x0  }
0x43: {  	[sflag:s7] =	ssyncadd.s32 $0xFFFFFFE0  }
0x44: {  	v0 =	vld [tilespmem:$0x11988]  }
0x45: {  	v1 =	vld [tilespmem:$0x119A8]  }
0x46: {  	v2 =	vld [tilespmem:$0x119B8]  }
0x47: {  	v3 =	vld [tilespmem:$0x11998];
	_ =	sdelay $0x2  }
0x48: {  	vm0 =	veq.s32 v1, $0x0  }
0x49: {  	v0 =	vnsel vm0, $0x3E8, v0;
	vm0 =	veq.s32 v2, $0x0  }
0x4a: {  	[tilespmem:$0x119C8] =	vst v0;
	v0 =	vnsel vm0, $0x3E8, v3  }
0x4b: {  	[tilespmem:$0x119D8] =	vst v0  }
0x4c: {  	[bflag:$0x0] =	sbarrier.arrive $0xFFFF  }
0x4d: {  	[tilespmem:s17], [sflag:$0x1] =	stream.indirect.gather [spmem:s2], $0x480, s16, s15, $0xb8;
	[tilespmem:$0x1A9E8] =	vst v63  }
0x4e: {  	_ = 	snop  }
0x4f: {  	[tilespmem:s19], [sflag:$0x2] =	stream.indirect.gather [spmem:s2], $0x480, s18, s15, $0xb8;
	[tilespmem:$0x1A9E8] =	vst v63  }
0x50: {  	_ =	swait.ge [sflag:s20], $0x4800  }
0x51: {  	[sflag:s20] =	ssyncset.done $0x0  }
0x52: {  	[sflag:s20] =	ssyncadd.s32 $0xFFFFB800  }
0x53: {  	[hbm4b:s21+s3] =	stream.linear.scatter [tilespmem:s17], [sflag:$0x3], $0x4800, $0x38;
	[tilespmem:$0x1A9E8] =	vst v63  }
0x54: {  	_ =	swait.ge [sflag:s22], $0x4800  }
.Ltmp1:
0x55: {  	[sflag:s22] =	ssyncset.done $0x0;
	(pc) =	sbr.rel @p1 .LBB2_1-.Ltmp1, $4  }
0x56: {  	[sflag:s22] =	ssyncadd.s32 $0xFFFFB800  }
0x57: {  	[hbm4b:s23+s3] =	stream.linear.scatter [tilespmem:s19], [sflag:$0x4], $0x4800, $0x38;
	[tilespmem:$0x1A9E8] =	vst v63  }
0x58: {  	_ =	swait.ge [sflag:s24], $0x4800  }
0x59: {  	[sflag:s24] =	ssyncset.done $0x0  }
.LBB2_2:
0x5a: {  	[sflag:s24] =	ssyncadd.s32 $0xFFFFB800  }
0x5b: {  	_ =	swait.ge [sflag:s26], $0x4800  }
0x5c: {  	[sflag:s26] =	ssyncset.done $0x0  }
0x5d: {  	[sflag:s26] =	ssyncadd.s32 $0xFFFFB800  }
0x5e: {  	_ =	sfence.sel $0x180000  }
0x5f: {  	[bflag:$0x0] =	sbarrier.arrive $0xFFFF  }
0x60: {  	p0 =	sne.s32 s1, $0x0;
	_ =	strace $0x90000047  }
0x61: {  	s0 =	sadd.s32 @!p0 $0x100000, s0;
	[bflag:$0x2] =	sbarrier.arrive $0xFFFF  }
0x62: {  	[sflag:s0] =	ssyncadd.tile.s32 @!p0 $0x1;
	_ =	shalt  }
.Lfunc_end2:
_tile_overlayer_lowered:
.L_overlay_start_2:
0x63: {  	(tag) =	ssettag $0x2  }
0x64: {  	s0 =	rddreg [dreg:$0x0];
	s2 =	stileid.u32  }
0x65: {  	s1 =	rddreg [dreg:$0x1];
	p0 =	sne.s32 s2, $0x0  }
0x66: {  	s3 =	rddreg [dreg:$0x2];
	[bflag:$0x3] =	sbarrier.arrive $0xFFFF;
	s2 =	simm.s32 @!p0 $0x1C05  }
0x67: {  	[timem:s3], [sflag:s2] =	dma.local @!p0 [hbm:s0], s1  }
0x68: {  	s0 =	simm.s32 @!p0 $0x5  }
0x69: {  	_ =	swait.ge @!p0 [sflag:s0], s1  }
0x6a: {  	s1 =	ssub.s32 @!p0 $0x0, s1;
	[sflag:s0] =	ssyncset.done @!p0 $0x0  }
0x6b: {  	[sflag:s0] =	ssyncadd.s32 @!p0 s1  }
0x6c: {  	[bflag:$0x3] =	sbarrier.arrive $0xFFFF  }
0x6d: {  	_ =	shalt  }

</sc_bundles>
